<compile_context>
chip_gen: v7x
topology: tpu7x:2x2x1
jax: 0.10.2.dev20260603
libtpu: 0.0.44.dev20260713+nightly
codegen_flags: <defaults>
</compile_context>

<pallas_src>
import functools

import jax
import jax.numpy as jnp
from jax import lax
from jax.experimental import pallas as pl
from jax.experimental.pallas import tpu as pltpu
from jax.experimental.pallas import tpu_sc as plsc

B = 16384
L = 20
EMB = 128
HID = 512
R = B * 10


_NC, _NS = 2, 16
_NW = _NC * _NS
_Q = B * L
_PER_W = _Q // _NW
_CHUNK = 128
_NCHUNK = _PER_W // _CHUNK


def _qgather_body(table_hbm, idx_hbm, out_hbm, idx_v, rv0, rv1,
                  gs0, gs1, ss0, ss1):
    wid = lax.axis_index("s") * _NC + lax.axis_index("c")
    base = wid * _PER_W
    pltpu.sync_copy(idx_hbm.at[wid], idx_v)

    def gather(i, rv, gs):
        pltpu.async_copy(table_hbm.at[idx_v.at[i]], rv, gs)

    def gather_wait(rv, gs):
        pltpu.make_async_copy(table_hbm.at[idx_v.at[0]], rv, gs).wait()

    def wb(i, rv, ss):
        pltpu.async_copy(rv, out_hbm.at[pl.ds(base + i * _CHUNK, _CHUNK)],
                         ss)

    def wb_wait(rv, ss):
        pltpu.make_async_copy(rv, out_hbm.at[pl.ds(base, _CHUNK)], ss).wait()

    gather(0, rv0, gs0)
    gather(1, rv1, gs1)
    nj = _NCHUNK // 2

    def body(j, carry):
        i0 = 2 * j
        i1 = i0 + 1
        gather_wait(rv0, gs0)
        wb(i0, rv0, ss0)
        gather_wait(rv1, gs1)
        wb(i1, rv1, ss1)

        @pl.when(j + 1 < nj)
        def _refill():
            wb_wait(rv0, ss0)
            gather(i0 + 2, rv0, gs0)
            wb_wait(rv1, ss1)
            gather(i1 + 2, rv1, gs1)

        return carry

    lax.fori_loop(0, nj, body, 0)
    wb_wait(rv0, ss0)
    wb_wait(rv1, ss1)


def _questions_gather(q_emb, question_flat):
    mesh = plsc.VectorSubcoreMesh(core_axis_name="c", subcore_axis_name="s")
    k = pl.kernel(
        _qgather_body,
        out_type=jax.ShapeDtypeStruct((_Q, EMB), jnp.float32),
        mesh=mesh,
        scratch_types=[
            pltpu.VMEM((_NCHUNK, _CHUNK), jnp.int32),
            pltpu.VMEM((_CHUNK, EMB), jnp.float32),
            pltpu.VMEM((_CHUNK, EMB), jnp.float32),
            pltpu.SemaphoreType.DMA,
            pltpu.SemaphoreType.DMA,
            pltpu.SemaphoreType.DMA,
            pltpu.SemaphoreType.DMA,
        ],
    )
    return k(q_emb, question_flat.reshape(_NW, _NCHUNK, _CHUNK))




def _proj_body(ce_ref, se_ref, me_ref, ze_ref, wc_ref, ws_ref, wm_ref,
               wz_ref, posb_ref, t_ref):
    tc = jnp.dot(ce_ref[...], wc_ref[...], preferred_element_type=jnp.float32)
    ts = jnp.dot(se_ref[...], ws_ref[...], preferred_element_type=jnp.float32)
    tm = jnp.dot(me_ref[...], wm_ref[...], preferred_element_type=jnp.float32)
    tz = jnp.dot(ze_ref[...], wz_ref[...], preferred_element_type=jnp.float32)
    zero = jnp.zeros((56, HID), jnp.float32)
    t = jnp.concatenate([tc, ts, tm, tz, posb_ref[...], zero], axis=0)
    t_ref[...] = t.astype(jnp.bfloat16)


def _build_table(color_emb, shape_emb, material_emb, size_emb, W, b):
    ce = jnp.zeros((16, EMB), jnp.float32).at[:9].set(color_emb)
    se = jnp.zeros((16, EMB), jnp.float32).at[:4].set(shape_emb)
    me = jnp.zeros((16, EMB), jnp.float32).at[:3].set(material_emb)
    ze = jnp.zeros((16, EMB), jnp.float32).at[:3].set(size_emb)
    wc = W[:, 3:131].T
    ws = W[:, 131:259].T
    wm = W[:, 259:387].T
    wz = W[:, 387:515].T
    posb = jnp.zeros((8, HID), jnp.float32).at[:3].set(W[:, :3].T).at[3].set(b)
    return pl.pallas_call(
        _proj_body,
        out_shape=jax.ShapeDtypeStruct((128, HID), jnp.bfloat16),
    )(ce, se, me, ze, wc, ws, wm, wz, posb)



_BBLK = 2048
_NB = B // _BBLK


def _ore_body(c_ref, s_ref, m_ref, z_ref, p_ref, t_ref, o_ref, a_ref):
    j = pl.program_id(1)

    @pl.when(j == 0)
    def _pack():
        a_ref[:, 0:10] = c_ref[...].astype(jnp.float32)
        a_ref[:, 10:20] = s_ref[...].astype(jnp.float32)
        a_ref[:, 20:30] = m_ref[...].astype(jnp.float32)
        a_ref[:, 30:40] = z_ref[...].astype(jnp.float32)
        a_ref[:, 40:50] = p_ref[0]
        a_ref[:, 50:60] = p_ref[1]
        a_ref[:, 60:70] = p_ref[2]
    r = lax.broadcasted_iota(jnp.int32, (70, 128), 0)
    col = lax.broadcasted_iota(jnp.int32, (70, 128), 1)
    sel = (((r == j) & (col < 16))
           | ((r == 10 + j) & (col >= 16) & (col < 32))
           | ((r == 20 + j) & (col >= 32) & (col < 48))
           | ((r == 30 + j) & (col >= 48) & (col < 64))
           | ((r == 40 + j) & (col == 64))
           | ((r == 50 + j) & (col == 65))
           | ((r == 60 + j) & (col == 66)))
    rj = jnp.where(sel, 1.0, 0.0)
    y = jnp.dot(a_ref[...], rj, preferred_element_type=jnp.float32)
    colv = lax.broadcasted_iota(jnp.int32, (_BBLK, 128), 1)
    cmod = (colv & 15).astype(jnp.float32)
    hot = jnp.where((colv < 64) & (y == cmod), 1.0, 0.0)
    x = jnp.where(colv < 64, hot,
                  jnp.where(colv < 67, y,
                            jnp.where(colv == 67, 1.0, 0.0)))
    o_ref[...] = jnp.dot(x.astype(jnp.bfloat16), t_ref[...],
                         preferred_element_type=jnp.float32)


def _ore_compute(colors, shapes, materials, sizes, pos_t, table):
    bs = pl.BlockSpec((_BBLK, 10), lambda i, j: (i, 0))
    return pl.pallas_call(
        _ore_body,
        grid=(_NB, 10),
        in_specs=[bs, bs, bs, bs,
                  pl.BlockSpec((3, _BBLK, 10), lambda i, j: (0, i, 0)),
                  pl.BlockSpec((128, HID), lambda i, j: (0, 0))],
        out_specs=pl.BlockSpec((_BBLK, HID), lambda i, j: (j * _NB + i, 0)),
        out_shape=jax.ShapeDtypeStruct((10 * B, HID), jnp.float32),
        scratch_shapes=[pltpu.VMEM((_BBLK, 70), jnp.float32)],
    )(colors, shapes, materials, sizes, pos_t, table)



_MBLK = 2048


def _mask_body(t_ref, mo_ref, mq_ref, mm_ref):
    row = lax.broadcasted_iota(jnp.int32, (30, _MBLK), 0)
    t = t_ref[...]
    mix = jnp.where(row < 10, (t == 1).astype(jnp.float32),
                    (t == 2).astype(jnp.float32))
    mo_ref[...] = (t[:10, :] == 1).astype(jnp.float32)
    mq_ref[...] = (t[10:, :] == 2).astype(jnp.float32)
    mm_ref[...] = mix


def _masks(types_t):
    return pl.pallas_call(
        _mask_body,
        grid=(B // _MBLK,),
        in_specs=[pl.BlockSpec((30, _MBLK), lambda i: (0, i))],
        out_specs=[pl.BlockSpec((10, _MBLK), lambda i: (0, i)),
                   pl.BlockSpec((20, _MBLK), lambda i: (0, i)),
                   pl.BlockSpec((30, _MBLK), lambda i: (0, i))],
        out_shape=[jax.ShapeDtypeStruct((10, B), jnp.float32),
                   jax.ShapeDtypeStruct((20, B), jnp.float32),
                   jax.ShapeDtypeStruct((30, B), jnp.float32)],
    )(types_t)




def kernel(positions, types, object_positions, object_colors, object_shapes,
           object_materials, object_sizes, question, q_emb, color_emb,
           shape_emb, material_emb, size_emb, W, b):
    table = _build_table(color_emb, shape_emb, material_emb, size_emb, W, b)
    pos_t = object_positions.transpose(2, 0, 1)
    ore_flat = _ore_compute(object_colors, object_shapes, object_materials,
                            object_sizes, pos_t, table)
    ore = ore_flat.reshape(10, B, HID).transpose(1, 0, 2)
    questions_flat = _questions_gather(q_emb, question.T)
    questions = questions_flat.reshape(L, B, EMB).transpose(1, 0, 2)
    mo, mq, mm = _masks(types.T)
    object_mask = mo.T.reshape(B, 1, 1, 10)
    question_mask = mq.T.reshape(B, 1, 1, 20)
    mixed_mask = mm.T.reshape(B, 1, 1, 30)
    return (ore, questions, object_mask, question_mask, mixed_mask)

# --- scband reference (transcript-rebuilt; emitter-appended) ---
"""Pipeline reference for scband-split-modal-embedder-no-type-62843961475782 (READ-ONLY COPY).

The authoritative reference and input builder live on the scoring server;
editing this copy changes nothing except your own understanding.
"""

import jax, jax.numpy as jnp
import numpy as np

B = 16384
L = 20
EMB = 128
HID = 512
QVOCAB = 100000

def setup_inputs(seed: int = 0) -> dict:
    key = jax.random.key(seed)
    ks = jax.random.split(key, 16)
    positions = jax.random.normal(ks[0], (B, 10, 3), dtype=jnp.float32)
    types = jax.random.randint(ks[1], (B, 10 + L), 0, 3, dtype=jnp.int32)
    object_positions = jax.random.normal(ks[2], (B, 10, 3), dtype=jnp.float32)
    object_colors = jax.random.randint(ks[3], (B, 10), 0, 9, dtype=jnp.int32)
    object_shapes = jax.random.randint(ks[4], (B, 10), 0, 4, dtype=jnp.int32)
    object_materials = jax.random.randint(ks[5], (B, 10), 0, 3, dtype=jnp.int32)
    object_sizes = jax.random.randint(ks[6], (B, 10), 0, 3, dtype=jnp.int32)
    question = jax.random.randint(ks[7], (B, L), 0, QVOCAB, dtype=jnp.int32)
    q_emb = (jax.random.normal(ks[8], (QVOCAB, EMB), dtype=jnp.float32) * 0.02).at[0].set(0.0)
    color_emb = (jax.random.normal(ks[9], (9, EMB), dtype=jnp.float32) * 0.02).at[0].set(0.0)
    shape_emb = (jax.random.normal(ks[10], (4, EMB), dtype=jnp.float32) * 0.02).at[0].set(0.0)
    material_emb = (jax.random.normal(ks[11], (3, EMB), dtype=jnp.float32) * 0.02).at[0].set(0.0)
    size_emb = (jax.random.normal(ks[12], (3, EMB), dtype=jnp.float32) * 0.02).at[0].set(0.0)
    W = jax.random.normal(ks[13], (HID, 3 + 4 * EMB), dtype=jnp.float32) * 0.02
    b = jnp.zeros((HID,), dtype=jnp.float32)
    return {"positions": positions, "types": types, "object_positions": object_positions, "object_colors": object_colors, "object_shapes": object_shapes, "object_materials": object_materials, "object_sizes": object_sizes, "question": question, "q_emb": q_emb, "color_emb": color_emb, "shape_emb": shape_emb, "material_emb": material_emb, "size_emb": size_emb, "W": W, "b": b}

def reference(positions, types, object_positions, object_colors, object_shapes, object_materials, object_sizes, question, q_emb, color_emb, shape_emb, material_emb, size_emb, W, b):
    object_mask = (types == 1).astype(jnp.float32)[:, :10][:, None, None, :]
    question_mask = (types == 2).astype(jnp.float32)[:, 10:][:, None, None, :]
    mixed_mask = jnp.concatenate([object_mask, question_mask], axis=3)
    questions = jnp.take(q_emb, question, axis=0)
    oc_proj = jnp.take(color_emb, object_colors, axis=0)
    os_proj = jnp.take(shape_emb, object_shapes, axis=0)
    om_proj = jnp.take(material_emb, object_materials, axis=0)
    oz_proj = jnp.take(size_emb, object_sizes, axis=0)
    ore_in = jnp.concatenate([object_positions, oc_proj, os_proj, om_proj, oz_proj], axis=2)
    ore = jnp.dot(ore_in, W.T) + b
    return (ore, questions, object_mask, question_mask, mixed_mask)

if __name__ == "__main__":
    import jax
    _d = setup_inputs()
    print(jax.jit(kernel)(*tuple(_d.values())))

</pallas_src>

<mosaic_0001>
#map = affine_map<(d0, d1) -> (0, 0)>
#map1 = affine_map<(d0, d1) -> (0, 0, 0)>
module attributes {stable_mosaic.version = 14 : i64} {
  func.func @_qgather_body(%arg0: i32, %arg1: i32, %arg2: memref<100000x128xf32, #tpu.memory_space<hbm>>, %arg3: memref<32x80x128xi32, #tpu.memory_space<hbm>>, %arg4: memref<327680x128xf32, #tpu.memory_space<hbm>>, %arg5: memref<80x128xi32, #tpu.memory_space<vmem>>, %arg6: memref<128x128xf32, #tpu.memory_space<vmem>>, %arg7: memref<128x128xf32, #tpu.memory_space<vmem>>, %arg8: memref<!tpu.dma_semaphore, #tpu.memory_space<semaphore_mem>>, %arg9: memref<!tpu.dma_semaphore, #tpu.memory_space<semaphore_mem>>, %arg10: memref<!tpu.dma_semaphore, #tpu.memory_space<semaphore_mem>>, %arg11: memref<!tpu.dma_semaphore, #tpu.memory_space<semaphore_mem>>) attributes {dimension_semantics = [#tpu.dimension_semantics<core_parallel>, #tpu.dimension_semantics<subcore_parallel>], iteration_bounds = array<i64: 2, 16>, scalar_prefetch = 0 : i64, scratch_operands = 7 : i64, tpu.core_type = #tpu.core_type<sc_vector_subcore>, window_params = [{transform_indices = #map}, {transform_indices = #map1}, {transform_indices = #map}]} {
    %mul3A = arith.constant 2 : i32
    %mul3A_0 = arith.muli %arg1, %mul3A : i32
    %add3A = arith.addi %mul3A_0, %arg0 : i32
    %mul3A_1 = arith.constant 10240 : i32
    %mul3A_2 = arith.muli %add3A, %mul3A_1 : i32
    "tpu.region"() ({
      %run_scoped3A = tpu.sem_alloc : memref<!tpu.dma_semaphore, #tpu.memory_space<semaphore_mem>>
      %dma_start3A_28 = arith.constant 0 : i32
      %dma_start3A_29 = arith.constant 0 : i32
      %dma_start3A_30 = tpu.memref_slice %arg3[%add3A, %dma_start3A_28, %dma_start3A_29] : memref<32x80x128xi32, #tpu.memory_space<hbm>> -> memref<1x80x128xi32, #tpu.memory_space<hbm>>
      %dma_start3A_31 = tpu.memref_squeeze %dma_start3A_30 : memref<1x80x128xi32, #tpu.memory_space<hbm>> -> memref<80x128xi32, #tpu.memory_space<hbm>>
      %dma_start3A_32 = arith.constant 0 : i32
      %dma_start3A_33 = arith.constant 0 : i32
      %dma_start3A_34 = tpu.memref_slice %arg3[%add3A, %dma_start3A_32, %dma_start3A_33] : memref<32x80x128xi32, #tpu.memory_space<hbm>> -> memref<1x80x128xi32, #tpu.memory_space<hbm>>
      %dma_start3A_35 = tpu.memref_squeeze %dma_start3A_34 : memref<1x80x128xi32, #tpu.memory_space<hbm>> -> memref<80x128xi32, #tpu.memory_space<hbm>>
      tpu.enqueue_dma source(%dma_start3A_35 : memref<80x128xi32, #tpu.memory_space<hbm>>) target(%arg5 : memref<80x128xi32, #tpu.memory_space<vmem>>) target_semaphore(%run_scoped3A : memref<!tpu.dma_semaphore, #tpu.memory_space<semaphore_mem>>)
      %dma_wait3A_36 = arith.constant 0 : i32
      %dma_wait3A_37 = arith.constant 0 : i32
      %dma_wait3A_38 = tpu.memref_slice %arg3[%add3A, %dma_wait3A_36, %dma_wait3A_37] : memref<32x80x128xi32, #tpu.memory_space<hbm>> -> memref<1x80x128xi32, #tpu.memory_space<hbm>>
      %dma_wait3A_39 = tpu.memref_squeeze %dma_wait3A_38 : memref<1x80x128xi32, #tpu.memory_space<hbm>> -> memref<80x128xi32, #tpu.memory_space<hbm>>
      %dma_wait3A_40 = arith.constant 0 : i32
      %dma_wait3A_41 = arith.constant 0 : i32
      %dma_wait3A_42 = tpu.memref_slice %arg3[%add3A, %dma_wait3A_40, %dma_wait3A_41] : memref<32x80x128xi32, #tpu.memory_space<hbm>> -> memref<1x80x128xi32, #tpu.memory_space<hbm>>
      %dma_wait3A_43 = tpu.memref_squeeze %dma_wait3A_42 : memref<1x80x128xi32, #tpu.memory_space<hbm>> -> memref<80x128xi32, #tpu.memory_space<hbm>>
      tpu.wait_dma2 semaphore(%run_scoped3A : memref<!tpu.dma_semaphore, #tpu.memory_space<semaphore_mem>>) src(%dma_wait3A_43 : memref<80x128xi32, #tpu.memory_space<hbm>>) dst(%arg5 : memref<80x128xi32, #tpu.memory_space<vmem>>)
      tpu.yield
    }) : () -> ()
    %dma_start3A = arith.constant 0 : i32
    %dma_start3A_3 = arith.constant 0 : i32
    %dma_start3A_4 = tpu.memref_slice %arg5[%dma_start3A, %dma_start3A_3] : memref<80x128xi32, #tpu.memory_space<vmem>> -> memref<1x128xi32, #tpu.memory_space<vmem>>
    %dma_start3A_5 = tpu.memref_squeeze %dma_start3A_4 : memref<1x128xi32, #tpu.memory_space<vmem>> -> memref<128xi32, #tpu.memory_space<vmem>>
    %dma_start3A_6 = arith.constant 0 : i32
    %dma_start3A_7 = arith.constant 0 : i32
    %dma_start3A_8 = tpu.memref_slice %arg2[%dma_start3A_6, %dma_start3A_7] : memref<100000x128xf32, #tpu.memory_space<hbm>> -> memref<100000x128xf32, #tpu.memory_space<hbm>>
    tpu.enqueue_indirect_dma source(%dma_start3A_8 : memref<100000x128xf32, #tpu.memory_space<hbm>>) target(%arg6 : memref<128x128xf32, #tpu.memory_space<vmem>>) offsets(%dma_start3A_5 : memref<128xi32, #tpu.memory_space<vmem>>) semaphore(%arg8 : memref<!tpu.dma_semaphore, #tpu.memory_space<semaphore_mem>>)
    %dma_start3A_9 = arith.constant 1 : i32
    %dma_start3A_10 = arith.constant 0 : i32
    %dma_start3A_11 = tpu.memref_slice %arg5[%dma_start3A_9, %dma_start3A_10] : memref<80x128xi32, #tpu.memory_space<vmem>> -> memref<1x128xi32, #tpu.memory_space<vmem>>
    %dma_start3A_12 = tpu.memref_squeeze %dma_start3A_11 : memref<1x128xi32, #tpu.memory_space<vmem>> -> memref<128xi32, #tpu.memory_space<vmem>>
    %dma_start3A_13 = arith.constant 0 : i32
    %dma_start3A_14 = arith.constant 0 : i32
    %dma_start3A_15 = tpu.memref_slice %arg2[%dma_start3A_13, %dma_start3A_14] : memref<100000x128xf32, #tpu.memory_space<hbm>> -> memref<100000x128xf32, #tpu.memory_space<hbm>>
    tpu.enqueue_indirect_dma source(%dma_start3A_15 : memref<100000x128xf32, #tpu.memory_space<hbm>>) target(%arg7 : memref<128x128xf32, #tpu.memory_space<vmem>>) offsets(%dma_start3A_12 : memref<128xi32, #tpu.memory_space<vmem>>) semaphore(%arg9 : memref<!tpu.dma_semaphore, #tpu.memory_space<semaphore_mem>>)
    %scan3A = arith.constant 0 : i32
    %scan3A_16 = arith.constant 0 : i32
    %scan3A_17 = arith.constant 40 : i32
    %scan3A_18 = arith.addi %scan3A_16, %scan3A_17 : i32
    %scan3A_19 = arith.constant 1 : i32
    scf.for %scan3A_28 = %scan3A_16 to %scan3A_18 step %scan3A_19  : i32 {
      %mul3A_29 = arith.constant 2 : i32
      %mul3A_30 = arith.muli %mul3A_29, %scan3A_28 : i32
      %add3A_31 = arith.constant 1 : i32
      %add3A_32 = arith.addi %mul3A_30, %add3A_31 : i32
      %dma_wait3A_33 = arith.constant 0 : i32
      %dma_wait3A_34 = arith.constant 0 : i32
      %dma_wait3A_35 = tpu.memref_slice %arg5[%dma_wait3A_33, %dma_wait3A_34] : memref<80x128xi32, #tpu.memory_space<vmem>> -> memref<1x128xi32, #tpu.memory_space<vmem>>
      %dma_wait3A_36 = tpu.memref_squeeze %dma_wait3A_35 : memref<1x128xi32, #tpu.memory_space<vmem>> -> memref<128xi32, #tpu.memory_space<vmem>>
      %dma_wait3A_37 = arith.constant 0 : i32
      %dma_wait3A_38 = arith.constant 0 : i32
      %dma_wait3A_39 = tpu.memref_slice %arg2[%dma_wait3A_37, %dma_wait3A_38] : memref<100000x128xf32, #tpu.memory_space<hbm>> -> memref<100000x128xf32, #tpu.memory_space<hbm>>
      tpu.wait_indirect_dma semaphore(%arg8 : memref<!tpu.dma_semaphore, #tpu.memory_space<semaphore_mem>>) src(%dma_wait3A_39 : memref<100000x128xf32, #tpu.memory_space<hbm>>) dst(%arg6 : memref<128x128xf32, #tpu.memory_space<vmem>>)
      %mul3A_40 = arith.constant 128 : i32
      %mul3A_41 = arith.muli %mul3A_30, %mul3A_40 : i32
      %add3A_42 = arith.addi %mul3A_2, %mul3A_41 : i32
      %dma_start3A_43 = arith.constant 0 : i32
      %dma_start3A_44 = tpu.memref_slice %arg4[%add3A_42, %dma_start3A_43] : memref<327680x128xf32, #tpu.memory_space<hbm>> -> memref<128x128xf32, #tpu.memory_space<hbm>>
      %dma_start3A_45 = arith.constant 0 : i32
      %dma_start3A_46 = tpu.memref_slice %arg4[%add3A_42, %dma_start3A_45] : memref<327680x128xf32, #tpu.memory_space<hbm>> -> memref<128x128xf32, #tpu.memory_space<hbm>>
      tpu.enqueue_dma source(%arg6 : memref<128x128xf32, #tpu.memory_space<vmem>>) target(%dma_start3A_46 : memref<128x128xf32, #tpu.memory_space<hbm>>) target_semaphore(%arg10 : memref<!tpu.dma_semaphore, #tpu.memory_space<semaphore_mem>>)
      %dma_wait3A_47 = arith.constant 0 : i32
      %dma_wait3A_48 = arith.constant 0 : i32
      %dma_wait3A_49 = tpu.memref_slice %arg5[%dma_wait3A_47, %dma_wait3A_48] : memref<80x128xi32, #tpu.memory_space<vmem>> -> memref<1x128xi32, #tpu.memory_space<vmem>>
      %dma_wait3A_50 = tpu.memref_squeeze %dma_wait3A_49 : memref<1x128xi32, #tpu.memory_space<vmem>> -> memref<128xi32, #tpu.memory_space<vmem>>
      %dma_wait3A_51 = arith.constant 0 : i32
      %dma_wait3A_52 = arith.constant 0 : i32
      %dma_wait3A_53 = tpu.memref_slice %arg2[%dma_wait3A_51, %dma_wait3A_52] : memref<100000x128xf32, #tpu.memory_space<hbm>> -> memref<100000x128xf32, #tpu.memory_space<hbm>>
      tpu.wait_indirect_dma semaphore(%arg9 : memref<!tpu.dma_semaphore, #tpu.memory_space<semaphore_mem>>) src(%dma_wait3A_53 : memref<100000x128xf32, #tpu.memory_space<hbm>>) dst(%arg7 : memref<128x128xf32, #tpu.memory_space<vmem>>)
      %mul3A_54 = arith.constant 128 : i32
      %mul3A_55 = arith.muli %add3A_32, %mul3A_54 : i32
      %add3A_56 = arith.addi %mul3A_2, %mul3A_55 : i32
      %dma_start3A_57 = arith.constant 0 : i32
      %dma_start3A_58 = tpu.memref_slice %arg4[%add3A_56, %dma_start3A_57] : memref<327680x128xf32, #tpu.memory_space<hbm>> -> memref<128x128xf32, #tpu.memory_space<hbm>>
      %dma_start3A_59 = arith.constant 0 : i32
      %dma_start3A_60 = tpu.memref_slice %arg4[%add3A_56, %dma_start3A_59] : memref<327680x128xf32, #tpu.memory_space<hbm>> -> memref<128x128xf32, #tpu.memory_space<hbm>>
      tpu.enqueue_dma source(%arg7 : memref<128x128xf32, #tpu.memory_space<vmem>>) target(%dma_start3A_60 : memref<128x128xf32, #tpu.memory_space<hbm>>) target_semaphore(%arg11 : memref<!tpu.dma_semaphore, #tpu.memory_space<semaphore_mem>>)
      %add3A_61 = arith.constant 1 : i32
      %add3A_62 = arith.addi %scan3A_28, %add3A_61 : i32
      %lt3A = arith.constant 40 : i32
      %lt3A_63 = arith.cmpi slt, %add3A_62, %lt3A : i32
      %convert_element_type3A = arith.extui %lt3A_63 : i1 to i32
      %cond3A = arith.constant 0 : i32
      %cond3A_64 = arith.cmpi ne, %convert_element_type3A, %cond3A : i32
      scf.if %cond3A_64 {
        %dma_wait3A_65 = arith.constant 0 : i32
        %dma_wait3A_66 = tpu.memref_slice %arg4[%mul3A_2, %dma_wait3A_65] : memref<327680x128xf32, #tpu.memory_space<hbm>> -> memref<128x128xf32, #tpu.memory_space<hbm>>
        %dma_wait3A_67 = arith.constant 0 : i32
        %dma_wait3A_68 = tpu.memref_slice %arg4[%mul3A_2, %dma_wait3A_67] : memref<327680x128xf32, #tpu.memory_space<hbm>> -> memref<128x128xf32, #tpu.memory_space<hbm>>
        tpu.wait_dma2 semaphore(%arg10 : memref<!tpu.dma_semaphore, #tpu.memory_space<semaphore_mem>>) src(%arg6 : memref<128x128xf32, #tpu.memory_space<vmem>>) dst(%dma_wait3A_68 : memref<128x128xf32, #tpu.memory_space<hbm>>)
        %add3A_69 = arith.constant 2 : i32
        %add3A_70 = arith.addi %mul3A_30, %add3A_69 : i32
        %dma_start3A_71 = arith.constant 0 : i32
        %dma_start3A_72 = tpu.memref_slice %arg5[%add3A_70, %dma_start3A_71] : memref<80x128xi32, #tpu.memory_space<vmem>> -> memref<1x128xi32, #tpu.memory_space<vmem>>
        %dma_start3A_73 = tpu.memref_squeeze %dma_start3A_72 : memref<1x128xi32, #tpu.memory_space<vmem>> -> memref<128xi32, #tpu.memory_space<vmem>>
        %dma_start3A_74 = arith.constant 0 : i32
        %dma_start3A_75 = arith.constant 0 : i32
        %dma_start3A_76 = tpu.memref_slice %arg2[%dma_start3A_74, %dma_start3A_75] : memref<100000x128xf32, #tpu.memory_space<hbm>> -> memref<100000x128xf32, #tpu.memory_space<hbm>>
        tpu.enqueue_indirect_dma source(%dma_start3A_76 : memref<100000x128xf32, #tpu.memory_space<hbm>>) target(%arg6 : memref<128x128xf32, #tpu.memory_space<vmem>>) offsets(%dma_start3A_73 : memref<128xi32, #tpu.memory_space<vmem>>) semaphore(%arg8 : memref<!tpu.dma_semaphore, #tpu.memory_space<semaphore_mem>>)
        %dma_wait3A_77 = arith.constant 0 : i32
        %dma_wait3A_78 = tpu.memref_slice %arg4[%mul3A_2, %dma_wait3A_77] : memref<327680x128xf32, #tpu.memory_space<hbm>> -> memref<128x128xf32, #tpu.memory_space<hbm>>
        %dma_wait3A_79 = arith.constant 0 : i32
        %dma_wait3A_80 = tpu.memref_slice %arg4[%mul3A_2, %dma_wait3A_79] : memref<327680x128xf32, #tpu.memory_space<hbm>> -> memref<128x128xf32, #tpu.memory_space<hbm>>
        tpu.wait_dma2 semaphore(%arg11 : memref<!tpu.dma_semaphore, #tpu.memory_space<semaphore_mem>>) src(%arg7 : memref<128x128xf32, #tpu.memory_space<vmem>>) dst(%dma_wait3A_80 : memref<128x128xf32, #tpu.memory_space<hbm>>)
        %add3A_81 = arith.constant 2 : i32
        %add3A_82 = arith.addi %add3A_32, %add3A_81 : i32
        %dma_start3A_83 = arith.constant 0 : i32
        %dma_start3A_84 = tpu.memref_slice %arg5[%add3A_82, %dma_start3A_83] : memref<80x128xi32, #tpu.memory_space<vmem>> -> memref<1x128xi32, #tpu.memory_space<vmem>>
        %dma_start3A_85 = tpu.memref_squeeze %dma_start3A_84 : memref<1x128xi32, #tpu.memory_space<vmem>> -> memref<128xi32, #tpu.memory_space<vmem>>
        %dma_start3A_86 = arith.constant 0 : i32
        %dma_start3A_87 = arith.constant 0 : i32
        %dma_start3A_88 = tpu.memref_slice %arg2[%dma_start3A_86, %dma_start3A_87] : memref<100000x128xf32, #tpu.memory_space<hbm>> -> memref<100000x128xf32, #tpu.memory_space<hbm>>
        tpu.enqueue_indirect_dma source(%dma_start3A_88 : memref<100000x128xf32, #tpu.memory_space<hbm>>) target(%arg7 : memref<128x128xf32, #tpu.memory_space<vmem>>) offsets(%dma_start3A_85 : memref<128xi32, #tpu.memory_space<vmem>>) semaphore(%arg9 : memref<!tpu.dma_semaphore, #tpu.memory_space<semaphore_mem>>)
      } else {
      }
    }
    %scan3A_20 = arith.constant 40 : i32
    %dma_wait3A = arith.constant 0 : i32
    %dma_wait3A_21 = tpu.memref_slice %arg4[%mul3A_2, %dma_wait3A] : memref<327680x128xf32, #tpu.memory_space<hbm>> -> memref<128x128xf32, #tpu.memory_space<hbm>>
    %dma_wait3A_22 = arith.constant 0 : i32
    %dma_wait3A_23 = tpu.memref_slice %arg4[%mul3A_2, %dma_wait3A_22] : memref<327680x128xf32, #tpu.memory_space<hbm>> -> memref<128x128xf32, #tpu.memory_space<hbm>>
    tpu.wait_dma2 semaphore(%arg10 : memref<!tpu.dma_semaphore, #tpu.memory_space<semaphore_mem>>) src(%arg6 : memref<128x128xf32, #tpu.memory_space<vmem>>) dst(%dma_wait3A_23 : memref<128x128xf32, #tpu.memory_space<hbm>>)
    %dma_wait3A_24 = arith.constant 0 : i32
    %dma_wait3A_25 = tpu.memref_slice %arg4[%mul3A_2, %dma_wait3A_24] : memref<327680x128xf32, #tpu.memory_space<hbm>> -> memref<128x128xf32, #tpu.memory_space<hbm>>
    %dma_wait3A_26 = arith.constant 0 : i32
    %dma_wait3A_27 = tpu.memref_slice %arg4[%mul3A_2, %dma_wait3A_26] : memref<327680x128xf32, #tpu.memory_space<hbm>> -> memref<128x128xf32, #tpu.memory_space<hbm>>
    tpu.wait_dma2 semaphore(%arg11 : memref<!tpu.dma_semaphore, #tpu.memory_space<semaphore_mem>>) src(%arg7 : memref<128x128xf32, #tpu.memory_space<vmem>>) dst(%dma_wait3A_27 : memref<128x128xf32, #tpu.memory_space<hbm>>)
    return
  }
}

module attributes {stable_mosaic.version = 14 : i64} {
  func.func @_mask_body(%arg0: i32, %arg1: memref<30x2048xi32, #tpu.memory_space<vmem>>, %arg2: memref<10x2048xf32, #tpu.memory_space<vmem>>, %arg3: memref<20x2048xf32, #tpu.memory_space<vmem>>, %arg4: memref<30x2048xf32, #tpu.memory_space<vmem>>) attributes {dimension_semantics = [#tpu.dimension_semantics<arbitrary>], iteration_bounds = array<i64: 8>, scalar_prefetch = 0 : i64, scratch_operands = 0 : i64, tpu.core_type = #tpu.core_type<tc>, window_params = [{transform_indices = @transform_0, window_bounds = array<i64: 30, 2048>}, {transform_indices = @transform_1, window_bounds = array<i64: 10, 2048>}, {transform_indices = @transform_2, window_bounds = array<i64: 20, 2048>}, {transform_indices = @transform_3, window_bounds = array<i64: 30, 2048>}]} {
    %iota3A = tpu.iota {dimensions = array<i32: 0>} : vector<30x2048xi32>
    %get3A = arith.constant 0 : index
    %get3A_0 = arith.constant 0 : index
    %get3A_1 = vector.load %arg1[%get3A, %get3A_0] : memref<30x2048xi32, #tpu.memory_space<vmem>>, vector<30x2048xi32>
    %lt3A = arith.constant 10 : i32
    %lt3A_2 = vector.broadcast %lt3A : i32 to vector<30x2048xi32>
    %lt3A_3 = arith.cmpi slt, %iota3A, %lt3A_2 : vector<30x2048xi32>
    %eq3A = arith.constant 1 : i32
    %eq3A_4 = vector.broadcast %eq3A : i32 to vector<30x2048xi32>
    %eq3A_5 = arith.cmpi eq, %get3A_1, %eq3A_4 : vector<30x2048xi32>
    %convert_element_type3A = arith.extui %eq3A_5 : vector<30x2048xi1> to vector<30x2048xi32>
    %convert_element_type3A_6 = arith.sitofp %convert_element_type3A : vector<30x2048xi32> to vector<30x2048xf32>
    %eq3A_7 = arith.constant 2 : i32
    %eq3A_8 = vector.broadcast %eq3A_7 : i32 to vector<30x2048xi32>
    %eq3A_9 = arith.cmpi eq, %get3A_1, %eq3A_8 : vector<30x2048xi32>
    %convert_element_type3A_10 = arith.extui %eq3A_9 : vector<30x2048xi1> to vector<30x2048xi32>
    %convert_element_type3A_11 = arith.sitofp %convert_element_type3A_10 : vector<30x2048xi32> to vector<30x2048xf32>
    %select_n3A = arith.select %lt3A_3, %convert_element_type3A_6, %convert_element_type3A_11 : vector<30x2048xi1>, vector<30x2048xf32>
    %slice3A = vector.extract_strided_slice %get3A_1 {offsets = [0, 0], sizes = [10, 2048], strides = [1, 1]} : vector<30x2048xi32> to vector<10x2048xi32>
    %eq3A_12 = arith.constant 1 : i32
    %eq3A_13 = vector.broadcast %eq3A_12 : i32 to vector<10x2048xi32>
    %eq3A_14 = arith.cmpi eq, %slice3A, %eq3A_13 : vector<10x2048xi32>
    %convert_element_type3A_15 = arith.extui %eq3A_14 : vector<10x2048xi1> to vector<10x2048xi32>
    %convert_element_type3A_16 = arith.sitofp %convert_element_type3A_15 : vector<10x2048xi32> to vector<10x2048xf32>
    %swap3A = arith.constant 0 : index
    %swap3A_17 = arith.constant 0 : index
    %swap3A_18 = vector.load %arg2[%swap3A, %swap3A_17] : memref<10x2048xf32, #tpu.memory_space<vmem>>, vector<10x2048xf32>
    tpu.vector_store %arg2[%swap3A, %swap3A_17], %convert_element_type3A_16 {strides = array<i32>} : memref<10x2048xf32, #tpu.memory_space<vmem>>, vector<10x2048xf32>,
    %slice3A_19 = vector.extract_strided_slice %get3A_1 {offsets = [10, 0], sizes = [20, 2048], strides = [1, 1]} : vector<30x2048xi32> to vector<20x2048xi32>
    %eq3A_20 = arith.constant 2 : i32
    %eq3A_21 = vector.broadcast %eq3A_20 : i32 to vector<20x2048xi32>
    %eq3A_22 = arith.cmpi eq, %slice3A_19, %eq3A_21 : vector<20x2048xi32>
    %convert_element_type3A_23 = arith.extui %eq3A_22 : vector<20x2048xi1> to vector<20x2048xi32>
    %convert_element_type3A_24 = arith.sitofp %convert_element_type3A_23 : vector<20x2048xi32> to vector<20x2048xf32>
    %swap3A_25 = arith.constant 0 : index
    %swap3A_26 = arith.constant 0 : index
    %swap3A_27 = vector.load %arg3[%swap3A_25, %swap3A_26] : memref<20x2048xf32, #tpu.memory_space<vmem>>, vector<20x2048xf32>
    tpu.vector_store %arg3[%swap3A_25, %swap3A_26], %convert_element_type3A_24 {strides = array<i32>} : memref<20x2048xf32, #tpu.memory_space<vmem>>, vector<20x2048xf32>,
    %swap3A_28 = arith.constant 0 : index
    %swap3A_29 = arith.constant 0 : index
    %swap3A_30 = vector.load %arg4[%swap3A_28, %swap3A_29] : memref<30x2048xf32, #tpu.memory_space<vmem>>, vector<30x2048xf32>
    tpu.vector_store %arg4[%swap3A_28, %swap3A_29], %select_n3A {strides = array<i32>} : memref<30x2048xf32, #tpu.memory_space<vmem>>, vector<30x2048xf32>,
    return
  }
  func.func @transform_0(%arg0: i32) -> (i32, i32) {
    %c0_i32 = arith.constant 0 : i32
    %c0_i32_0 = arith.constant 0 : i32
    return %c0_i32, %arg0 : i32, i32
  }
  func.func @transform_1(%arg0: i32) -> (i32, i32) {
    %c0_i32 = arith.constant 0 : i32
    %c0_i32_0 = arith.constant 0 : i32
    return %c0_i32, %arg0 : i32, i32
  }
  func.func @transform_2(%arg0: i32) -> (i32, i32) {
    %c0_i32 = arith.constant 0 : i32
    %c0_i32_0 = arith.constant 0 : i32
    return %c0_i32, %arg0 : i32, i32
  }
  func.func @transform_3(%arg0: i32) -> (i32, i32) {
    %c0_i32 = arith.constant 0 : i32
    %c0_i32_0 = arith.constant 0 : i32
    return %c0_i32, %arg0 : i32, i32
  }
}

module attributes {stable_mosaic.version = 14 : i64} {
  func.func @_proj_body(%arg0: memref<16x128xf32, #tpu.memory_space<vmem>>, %arg1: memref<16x128xf32, #tpu.memory_space<vmem>>, %arg2: memref<16x128xf32, #tpu.memory_space<vmem>>, %arg3: memref<16x128xf32, #tpu.memory_space<vmem>>, %arg4: memref<128x512xf32, #tpu.memory_space<vmem>>, %arg5: memref<128x512xf32, #tpu.memory_space<vmem>>, %arg6: memref<128x512xf32, #tpu.memory_space<vmem>>, %arg7: memref<128x512xf32, #tpu.memory_space<vmem>>, %arg8: memref<8x512xf32, #tpu.memory_space<vmem>>, %arg9: memref<128x512xbf16, #tpu.memory_space<vmem>>) attributes {dimension_semantics = [], scalar_prefetch = 0 : i64, scratch_operands = 0 : i64, tpu.core_type = #tpu.core_type<tc>} {
    %get3A = arith.constant 0 : index
    %get3A_0 = arith.constant 0 : index
    %get3A_1 = vector.load %arg0[%get3A, %get3A_0] : memref<16x128xf32, #tpu.memory_space<vmem>>, vector<16x128xf32>
    %get3A_2 = arith.constant 0 : index
    %get3A_3 = arith.constant 0 : index
    %get3A_4 = vector.load %arg4[%get3A_2, %get3A_3] : memref<128x512xf32, #tpu.memory_space<vmem>>, vector<128x512xf32>
    %dot_general3A = arith.constant dense<0.000000e+00> : vector<16x512xf32>
    %dot_general3A_5 = tpu.matmul %get3A_1, %get3A_4, %dot_general3A {dimension_numbers = #tpu.dot_dimension_numbers<[1], [0], [0], [1], [0, 0, 1, 1], [], []>, transpose_lhs_hint = false} : vector<16x128xf32>, vector<128x512xf32>, vector<16x512xf32> -> vector<16x512xf32>
    %get3A_6 = arith.constant 0 : index
    %get3A_7 = arith.constant 0 : index
    %get3A_8 = vector.load %arg1[%get3A_6, %get3A_7] : memref<16x128xf32, #tpu.memory_space<vmem>>, vector<16x128xf32>
    %get3A_9 = arith.constant 0 : index
    %get3A_10 = arith.constant 0 : index
    %get3A_11 = vector.load %arg5[%get3A_9, %get3A_10] : memref<128x512xf32, #tpu.memory_space<vmem>>, vector<128x512xf32>
    %dot_general3A_12 = arith.constant dense<0.000000e+00> : vector<16x512xf32>
    %dot_general3A_13 = tpu.matmul %get3A_8, %get3A_11, %dot_general3A_12 {dimension_numbers = #tpu.dot_dimension_numbers<[1], [0], [0], [1], [0, 0, 1, 1], [], []>, transpose_lhs_hint = false} : vector<16x128xf32>, vector<128x512xf32>, vector<16x512xf32> -> vector<16x512xf32>
    %get3A_14 = arith.constant 0 : index
    %get3A_15 = arith.constant 0 : index
    %get3A_16 = vector.load %arg2[%get3A_14, %get3A_15] : memref<16x128xf32, #tpu.memory_space<vmem>>, vector<16x128xf32>
    %get3A_17 = arith.constant 0 : index
    %get3A_18 = arith.constant 0 : index
    %get3A_19 = vector.load %arg6[%get3A_17, %get3A_18] : memref<128x512xf32, #tpu.memory_space<vmem>>, vector<128x512xf32>
    %dot_general3A_20 = arith.constant dense<0.000000e+00> : vector<16x512xf32>
    %dot_general3A_21 = tpu.matmul %get3A_16, %get3A_19, %dot_general3A_20 {dimension_numbers = #tpu.dot_dimension_numbers<[1], [0], [0], [1], [0, 0, 1, 1], [], []>, transpose_lhs_hint = false} : vector<16x128xf32>, vector<128x512xf32>, vector<16x512xf32> -> vector<16x512xf32>
    %get3A_22 = arith.constant 0 : index
    %get3A_23 = arith.constant 0 : index
    %get3A_24 = vector.load %arg3[%get3A_22, %get3A_23] : memref<16x128xf32, #tpu.memory_space<vmem>>, vector<16x128xf32>
    %get3A_25 = arith.constant 0 : index
    %get3A_26 = arith.constant 0 : index
    %get3A_27 = vector.load %arg7[%get3A_25, %get3A_26] : memref<128x512xf32, #tpu.memory_space<vmem>>, vector<128x512xf32>
    %dot_general3A_28 = arith.constant dense<0.000000e+00> : vector<16x512xf32>
    %dot_general3A_29 = tpu.matmul %get3A_24, %get3A_27, %dot_general3A_28 {dimension_numbers = #tpu.dot_dimension_numbers<[1], [0], [0], [1], [0, 0, 1, 1], [], []>, transpose_lhs_hint = false} : vector<16x128xf32>, vector<128x512xf32>, vector<16x512xf32> -> vector<16x512xf32>
    %broadcast_in_dim3A = arith.constant 0.000000e+00 : f32
    %broadcast_in_dim3A_30 = vector.broadcast %broadcast_in_dim3A : f32 to vector<56x512xf32>
    %get3A_31 = arith.constant 0 : index
    %get3A_32 = arith.constant 0 : index
    %get3A_33 = vector.load %arg8[%get3A_31, %get3A_32] : memref<8x512xf32, #tpu.memory_space<vmem>>, vector<8x512xf32>
    %concatenate3A = tpu.concatenate %dot_general3A_5, %dot_general3A_13, %dot_general3A_21, %dot_general3A_29, %get3A_33, %broadcast_in_dim3A_30 in 0 : vector<16x512xf32>, vector<16x512xf32>, vector<16x512xf32>, vector<16x512xf32>, vector<8x512xf32>, vector<56x512xf32> -> vector<128x512xf32>
    %convert_element_type3A = arith.truncf %concatenate3A : vector<128x512xf32> to vector<128x512xbf16>
    %swap3A = arith.constant 0 : index
    %swap3A_34 = arith.constant 0 : index
    %swap3A_35 = vector.load %arg9[%swap3A, %swap3A_34] : memref<128x512xbf16, #tpu.memory_space<vmem>>, vector<128x512xbf16>
    tpu.vector_store %arg9[%swap3A, %swap3A_34], %convert_element_type3A {strides = array<i32>} : memref<128x512xbf16, #tpu.memory_space<vmem>>, vector<128x512xbf16>,
    return
  }
}

module attributes {stable_mosaic.version = 14 : i64} {
  func.func @_ore_body(%arg0: i32, %arg1: i32, %arg2: memref<2048x10xi32, #tpu.memory_space<vmem>>, %arg3: memref<2048x10xi32, #tpu.memory_space<vmem>>, %arg4: memref<2048x10xi32, #tpu.memory_space<vmem>>, %arg5: memref<2048x10xi32, #tpu.memory_space<vmem>>, %arg6: memref<3x2048x10xf32, #tpu.memory_space<vmem>>, %arg7: memref<128x512xbf16, #tpu.memory_space<vmem>>, %arg8: memref<2048x512xf32, #tpu.memory_space<vmem>>, %arg9: memref<2048x70xf32, #tpu.memory_space<vmem>>) attributes {dimension_semantics = [#tpu.dimension_semantics<arbitrary>, #tpu.dimension_semantics<arbitrary>], iteration_bounds = array<i64: 8, 10>, scalar_prefetch = 0 : i64, scratch_operands = 1 : i64, tpu.core_type = #tpu.core_type<tc>, window_params = [{transform_indices = @transform_0, window_bounds = array<i64: 2048, 10>}, {transform_indices = @transform_1, window_bounds = array<i64: 2048, 10>}, {transform_indices = @transform_2, window_bounds = array<i64: 2048, 10>}, {transform_indices = @transform_3, window_bounds = array<i64: 2048, 10>}, {transform_indices = @transform_4, window_bounds = array<i64: 3, 2048, 10>}, {pipeline_mode = #tpu.pipeline_mode<synchronous>, transform_indices = @transform_5, window_bounds = array<i64: 128, 512>}, {transform_indices = @transform_6, window_bounds = array<i64: 2048, 512>}]} {
    %eq3A = arith.constant 0 : i32
    %eq3A_0 = arith.cmpi eq, %arg1, %eq3A : i32
    %convert_element_type3A = arith.extui %eq3A_0 : i1 to i32
    %cond3A = arith.constant 0 : i32
    %cond3A_1 = arith.cmpi ne, %convert_element_type3A, %cond3A : i32
    scf.if %cond3A_1 {
      %get3A_114 = arith.constant 0 : index
      %get3A_115 = arith.constant 0 : index
      %get3A_116 = vector.load %arg2[%get3A_114, %get3A_115] : memref<2048x10xi32, #tpu.memory_space<vmem>>, vector<2048x10xi32>
      %convert_element_type3A_117 = arith.sitofp %get3A_116 : vector<2048x10xi32> to vector<2048x10xf32>
      %swap3A_118 = arith.constant 0 : index
      %swap3A_119 = arith.constant 0 : index
      %swap3A_120 = vector.load %arg9[%swap3A_118, %swap3A_119] : memref<2048x70xf32, #tpu.memory_space<vmem>>, vector<2048x10xf32>
      tpu.vector_store %arg9[%swap3A_118, %swap3A_119], %convert_element_type3A_117 {strides = array<i32>} : memref<2048x70xf32, #tpu.memory_space<vmem>>, vector<2048x10xf32>,
      %get3A_121 = arith.constant 0 : index
      %get3A_122 = arith.constant 0 : index
      %get3A_123 = vector.load %arg3[%get3A_121, %get3A_122] : memref<2048x10xi32, #tpu.memory_space<vmem>>, vector<2048x10xi32>
      %convert_element_type3A_124 = arith.sitofp %get3A_123 : vector<2048x10xi32> to vector<2048x10xf32>
      %swap3A_125 = arith.constant 0 : index
      %swap3A_126 = arith.constant 10 : index
      %swap3A_127 = vector.load %arg9[%swap3A_125, %swap3A_126] : memref<2048x70xf32, #tpu.memory_space<vmem>>, vector<2048x10xf32>
      tpu.vector_store %arg9[%swap3A_125, %swap3A_126], %convert_element_type3A_124 {strides = array<i32>} : memref<2048x70xf32, #tpu.memory_space<vmem>>, vector<2048x10xf32>,
      %get3A_128 = arith.constant 0 : index
      %get3A_129 = arith.constant 0 : index
      %get3A_130 = vector.load %arg4[%get3A_128, %get3A_129] : memref<2048x10xi32, #tpu.memory_space<vmem>>, vector<2048x10xi32>
      %convert_element_type3A_131 = arith.sitofp %get3A_130 : vector<2048x10xi32> to vector<2048x10xf32>
      %swap3A_132 = arith.constant 0 : index
      %swap3A_133 = arith.constant 20 : index
      %swap3A_134 = vector.load %arg9[%swap3A_132, %swap3A_133] : memref<2048x70xf32, #tpu.memory_space<vmem>>, vector<2048x10xf32>
      tpu.vector_store %arg9[%swap3A_132, %swap3A_133], %convert_element_type3A_131 {strides = array<i32>} : memref<2048x70xf32, #tpu.memory_space<vmem>>, vector<2048x10xf32>,
      %get3A_135 = arith.constant 0 : index
      %get3A_136 = arith.constant 0 : index
      %get3A_137 = vector.load %arg5[%get3A_135, %get3A_136] : memref<2048x10xi32, #tpu.memory_space<vmem>>, vector<2048x10xi32>
      %convert_element_type3A_138 = arith.sitofp %get3A_137 : vector<2048x10xi32> to vector<2048x10xf32>
      %swap3A_139 = arith.constant 0 : index
      %swap3A_140 = arith.constant 30 : index
      %swap3A_141 = vector.load %arg9[%swap3A_139, %swap3A_140] : memref<2048x70xf32, #tpu.memory_space<vmem>>, vector<2048x10xf32>
      tpu.vector_store %arg9[%swap3A_139, %swap3A_140], %convert_element_type3A_138 {strides = array<i32>} : memref<2048x70xf32, #tpu.memory_space<vmem>>, vector<2048x10xf32>,
      %get3A_142 = arith.constant 0 : index
      %get3A_143 = arith.constant 0 : index
      %get3A_144 = arith.constant 0 : index
      %get3A_145 = vector.load %arg6[%get3A_142, %get3A_143, %get3A_144] : memref<3x2048x10xf32, #tpu.memory_space<vmem>>, vector<1x2048x10xf32>
      %get3A_146 = vector.shape_cast %get3A_145 : vector<1x2048x10xf32> to vector<2048x10xf32>
      %swap3A_147 = arith.constant 0 : index
      %swap3A_148 = arith.constant 40 : index
      %swap3A_149 = vector.load %arg9[%swap3A_147, %swap3A_148] : memref<2048x70xf32, #tpu.memory_space<vmem>>, vector<2048x10xf32>
      tpu.vector_store %arg9[%swap3A_147, %swap3A_148], %get3A_146 {strides = array<i32>} : memref<2048x70xf32, #tpu.memory_space<vmem>>, vector<2048x10xf32>,
      %get3A_150 = arith.constant 1 : index
      %get3A_151 = arith.constant 0 : index
      %get3A_152 = arith.constant 0 : index
      %get3A_153 = vector.load %arg6[%get3A_150, %get3A_151, %get3A_152] : memref<3x2048x10xf32, #tpu.memory_space<vmem>>, vector<1x2048x10xf32>
      %get3A_154 = vector.shape_cast %get3A_153 : vector<1x2048x10xf32> to vector<2048x10xf32>
      %swap3A_155 = arith.constant 0 : index
      %swap3A_156 = arith.constant 50 : index
      %swap3A_157 = vector.load %arg9[%swap3A_155, %swap3A_156] : memref<2048x70xf32, #tpu.memory_space<vmem>>, vector<2048x10xf32>
      tpu.vector_store %arg9[%swap3A_155, %swap3A_156], %get3A_154 {strides = array<i32>} : memref<2048x70xf32, #tpu.memory_space<vmem>>, vector<2048x10xf32>,
      %get3A_158 = arith.constant 2 : index
      %get3A_159 = arith.constant 0 : index
      %get3A_160 = arith.constant 0 : index
      %get3A_161 = vector.load %arg6[%get3A_158, %get3A_159, %get3A_160] : memref<3x2048x10xf32, #tpu.memory_space<vmem>>, vector<1x2048x10xf32>
      %get3A_162 = vector.shape_cast %get3A_161 : vector<1x2048x10xf32> to vector<2048x10xf32>
      %swap3A_163 = arith.constant 0 : index
      %swap3A_164 = arith.constant 60 : index
      %swap3A_165 = vector.load %arg9[%swap3A_163, %swap3A_164] : memref<2048x70xf32, #tpu.memory_space<vmem>>, vector<2048x10xf32>
      tpu.vector_store %arg9[%swap3A_163, %swap3A_164], %get3A_162 {strides = array<i32>} : memref<2048x70xf32, #tpu.memory_space<vmem>>, vector<2048x10xf32>,
    } else {
    }
    %iota3A = tpu.iota {dimensions = array<i32: 0>} : vector<70x128xi32>
    %iota3A_2 = tpu.iota {dimensions = array<i32: 1>} : vector<70x128xi32>
    %eq3A_3 = vector.broadcast %arg1 : i32 to vector<70x128xi32>
    %eq3A_4 = arith.cmpi eq, %iota3A, %eq3A_3 : vector<70x128xi32>
    %lt3A = arith.constant 16 : i32
    %lt3A_5 = vector.broadcast %lt3A : i32 to vector<70x128xi32>
    %lt3A_6 = arith.cmpi slt, %iota3A_2, %lt3A_5 : vector<70x128xi32>
    %and3A = arith.andi %eq3A_4, %lt3A_6 : vector<70x128xi1>
    %add3A = arith.constant 10 : i32
    %add3A_7 = arith.addi %add3A, %arg1 : i32
    %eq3A_8 = vector.broadcast %add3A_7 : i32 to vector<70x128xi32>
    %eq3A_9 = arith.cmpi eq, %iota3A, %eq3A_8 : vector<70x128xi32>
    %ge3A = arith.constant 16 : i32
    %ge3A_10 = vector.broadcast %ge3A : i32 to vector<70x128xi32>
    %ge3A_11 = arith.cmpi sge, %iota3A_2, %ge3A_10 : vector<70x128xi32>
    %and3A_12 = arith.andi %eq3A_9, %ge3A_11 : vector<70x128xi1>
    %lt3A_13 = arith.constant 32 : i32
    %lt3A_14 = vector.broadcast %lt3A_13 : i32 to vector<70x128xi32>
    %lt3A_15 = arith.cmpi slt, %iota3A_2, %lt3A_14 : vector<70x128xi32>
    %and3A_16 = arith.andi %and3A_12, %lt3A_15 : vector<70x128xi1>
    %or3A = arith.ori %and3A, %and3A_16 : vector<70x128xi1>
    %add3A_17 = arith.constant 20 : i32
    %add3A_18 = arith.addi %add3A_17, %arg1 : i32
    %eq3A_19 = vector.broadcast %add3A_18 : i32 to vector<70x128xi32>
    %eq3A_20 = arith.cmpi eq, %iota3A, %eq3A_19 : vector<70x128xi32>
    %ge3A_21 = arith.constant 32 : i32
    %ge3A_22 = vector.broadcast %ge3A_21 : i32 to vector<70x128xi32>
    %ge3A_23 = arith.cmpi sge, %iota3A_2, %ge3A_22 : vector<70x128xi32>
    %and3A_24 = arith.andi %eq3A_20, %ge3A_23 : vector<70x128xi1>
    %lt3A_25 = arith.constant 48 : i32
    %lt3A_26 = vector.broadcast %lt3A_25 : i32 to vector<70x128xi32>
    %lt3A_27 = arith.cmpi slt, %iota3A_2, %lt3A_26 : vector<70x128xi32>
    %and3A_28 = arith.andi %and3A_24, %lt3A_27 : vector<70x128xi1>
    %or3A_29 = arith.ori %or3A, %and3A_28 : vector<70x128xi1>
    %add3A_30 = arith.constant 30 : i32
    %add3A_31 = arith.addi %add3A_30, %arg1 : i32
    %eq3A_32 = vector.broadcast %add3A_31 : i32 to vector<70x128xi32>
    %eq3A_33 = arith.cmpi eq, %iota3A, %eq3A_32 : vector<70x128xi32>
    %ge3A_34 = arith.constant 48 : i32
    %ge3A_35 = vector.broadcast %ge3A_34 : i32 to vector<70x128xi32>
    %ge3A_36 = arith.cmpi sge, %iota3A_2, %ge3A_35 : vector<70x128xi32>
    %and3A_37 = arith.andi %eq3A_33, %ge3A_36 : vector<70x128xi1>
    %lt3A_38 = arith.constant 64 : i32
    %lt3A_39 = vector.broadcast %lt3A_38 : i32 to vector<70x128xi32>
    %lt3A_40 = arith.cmpi slt, %iota3A_2, %lt3A_39 : vector<70x128xi32>
    %and3A_41 = arith.andi %and3A_37, %lt3A_40 : vector<70x128xi1>
    %or3A_42 = arith.ori %or3A_29, %and3A_41 : vector<70x128xi1>
    %add3A_43 = arith.constant 40 : i32
    %add3A_44 = arith.addi %add3A_43, %arg1 : i32
    %eq3A_45 = vector.broadcast %add3A_44 : i32 to vector<70x128xi32>
    %eq3A_46 = arith.cmpi eq, %iota3A, %eq3A_45 : vector<70x128xi32>
    %eq3A_47 = arith.constant 64 : i32
    %eq3A_48 = vector.broadcast %eq3A_47 : i32 to vector<70x128xi32>
    %eq3A_49 = arith.cmpi eq, %iota3A_2, %eq3A_48 : vector<70x128xi32>
    %and3A_50 = arith.andi %eq3A_46, %eq3A_49 : vector<70x128xi1>
    %or3A_51 = arith.ori %or3A_42, %and3A_50 : vector<70x128xi1>
    %add3A_52 = arith.constant 50 : i32
    %add3A_53 = arith.addi %add3A_52, %arg1 : i32
    %eq3A_54 = vector.broadcast %add3A_53 : i32 to vector<70x128xi32>
    %eq3A_55 = arith.cmpi eq, %iota3A, %eq3A_54 : vector<70x128xi32>
    %eq3A_56 = arith.constant 65 : i32
    %eq3A_57 = vector.broadcast %eq3A_56 : i32 to vector<70x128xi32>
    %eq3A_58 = arith.cmpi eq, %iota3A_2, %eq3A_57 : vector<70x128xi32>
    %and3A_59 = arith.andi %eq3A_55, %eq3A_58 : vector<70x128xi1>
    %or3A_60 = arith.ori %or3A_51, %and3A_59 : vector<70x128xi1>
    %add3A_61 = arith.constant 60 : i32
    %add3A_62 = arith.addi %add3A_61, %arg1 : i32
    %eq3A_63 = vector.broadcast %add3A_62 : i32 to vector<70x128xi32>
    %eq3A_64 = arith.cmpi eq, %iota3A, %eq3A_63 : vector<70x128xi32>
    %eq3A_65 = arith.constant 66 : i32
    %eq3A_66 = vector.broadcast %eq3A_65 : i32 to vector<70x128xi32>
    %eq3A_67 = arith.cmpi eq, %iota3A_2, %eq3A_66 : vector<70x128xi32>
    %and3A_68 = arith.andi %eq3A_64, %eq3A_67 : vector<70x128xi1>
    %or3A_69 = arith.ori %or3A_60, %and3A_68 : vector<70x128xi1>
    %jit3A = arith.constant 1.000000e+00 : f32
    %jit3A_70 = arith.constant 0.000000e+00 : f32
    %broadcast_in_dim3A = vector.broadcast %jit3A : f32 to vector<70x128xf32>
    %broadcast_in_dim3A_71 = vector.broadcast %jit3A_70 : f32 to vector<70x128xf32>
    %select_n3A = arith.select %or3A_69, %broadcast_in_dim3A, %broadcast_in_dim3A_71 : vector<70x128xi1>, vector<70x128xf32>
    %get3A = arith.constant 0 : index
    %get3A_72 = arith.constant 0 : index
    %get3A_73 = vector.load %arg9[%get3A, %get3A_72] : memref<2048x70xf32, #tpu.memory_space<vmem>>, vector<2048x70xf32>
    %dot_general3A = arith.constant dense<0.000000e+00> : vector<2048x128xf32>
    %dot_general3A_74 = tpu.matmul %get3A_73, %select_n3A, %dot_general3A {dimension_numbers = #tpu.dot_dimension_numbers<[1], [0], [0], [1], [0, 0, 1, 1], [], []>, transpose_lhs_hint = false} : vector<2048x70xf32>, vector<70x128xf32>, vector<2048x128xf32> -> vector<2048x128xf32>
    %iota3A_75 = tpu.iota {dimensions = array<i32: 1>} : vector<2048x128xi32>
    %and3A_76 = arith.constant 15 : i32
    %and3A_77 = vector.broadcast %and3A_76 : i32 to vector<2048x128xi32>
    %and3A_78 = arith.andi %iota3A_75, %and3A_77 : vector<2048x128xi32>
    %convert_element_type3A_79 = arith.sitofp %and3A_78 : vector<2048x128xi32> to vector<2048x128xf32>
    %lt3A_80 = arith.constant 64 : i32
    %lt3A_81 = vector.broadcast %lt3A_80 : i32 to vector<2048x128xi32>
    %lt3A_82 = arith.cmpi slt, %iota3A_75, %lt3A_81 : vector<2048x128xi32>
    %eq3A_83 = arith.cmpf oeq, %dot_general3A_74, %convert_element_type3A_79 : vector<2048x128xf32>
    %and3A_84 = arith.andi %lt3A_82, %eq3A_83 : vector<2048x128xi1>
    %jit3A_85 = arith.constant 1.000000e+00 : f32
    %jit3A_86 = arith.constant 0.000000e+00 : f32
    %broadcast_in_dim3A_87 = vector.broadcast %jit3A_85 : f32 to vector<2048x128xf32>
    %broadcast_in_dim3A_88 = vector.broadcast %jit3A_86 : f32 to vector<2048x128xf32>
    %select_n3A_89 = arith.select %and3A_84, %broadcast_in_dim3A_87, %broadcast_in_dim3A_88 : vector<2048x128xi1>, vector<2048x128xf32>
    %lt3A_90 = arith.constant 64 : i32
    %lt3A_91 = vector.broadcast %lt3A_90 : i32 to vector<2048x128xi32>
    %lt3A_92 = arith.cmpi slt, %iota3A_75, %lt3A_91 : vector<2048x128xi32>
    %lt3A_93 = arith.constant 67 : i32
    %lt3A_94 = vector.broadcast %lt3A_93 : i32 to vector<2048x128xi32>
    %lt3A_95 = arith.cmpi slt, %iota3A_75, %lt3A_94 : vector<2048x128xi32>
    %eq3A_96 = arith.constant 67 : i32
    %eq3A_97 = vector.broadcast %eq3A_96 : i32 to vector<2048x128xi32>
    %eq3A_98 = arith.cmpi eq, %iota3A_75, %eq3A_97 : vector<2048x128xi32>
    %jit3A_99 = arith.constant 1.000000e+00 : f32
    %jit3A_100 = arith.constant 0.000000e+00 : f32
    %broadcast_in_dim3A_101 = vector.broadcast %jit3A_99 : f32 to vector<2048x128xf32>
    %broadcast_in_dim3A_102 = vector.broadcast %jit3A_100 : f32 to vector<2048x128xf32>
    %select_n3A_103 = arith.select %eq3A_98, %broadcast_in_dim3A_101, %broadcast_in_dim3A_102 : vector<2048x128xi1>, vector<2048x128xf32>
    %select_n3A_104 = arith.select %lt3A_95, %dot_general3A_74, %select_n3A_103 : vector<2048x128xi1>, vector<2048x128xf32>
    %select_n3A_105 = arith.select %lt3A_92, %select_n3A_89, %select_n3A_104 : vector<2048x128xi1>, vector<2048x128xf32>
    %convert_element_type3A_106 = arith.truncf %select_n3A_105 : vector<2048x128xf32> to vector<2048x128xbf16>
    %get3A_107 = arith.constant 0 : index
    %get3A_108 = arith.constant 0 : index
    %get3A_109 = vector.load %arg7[%get3A_107, %get3A_108] : memref<128x512xbf16, #tpu.memory_space<vmem>>, vector<128x512xbf16>
    %dot_general3A_110 = arith.constant dense<0.000000e+00> : vector<2048x512xf32>
    %dot_general3A_111 = tpu.matmul %convert_element_type3A_106, %get3A_109, %dot_general3A_110 {dimension_numbers = #tpu.dot_dimension_numbers<[1], [0], [0], [1], [0, 0, 1, 1], [], []>, transpose_lhs_hint = false} : vector<2048x128xbf16>, vector<128x512xbf16>, vector<2048x512xf32> -> vector<2048x512xf32>
    %swap3A = arith.constant 0 : index
    %swap3A_112 = arith.constant 0 : index
    %swap3A_113 = vector.load %arg8[%swap3A, %swap3A_112] : memref<2048x512xf32, #tpu.memory_space<vmem>>, vector<2048x512xf32>
    tpu.vector_store %arg8[%swap3A, %swap3A_112], %dot_general3A_111 {strides = array<i32>} : memref<2048x512xf32, #tpu.memory_space<vmem>>, vector<2048x512xf32>,
    return
  }
  func.func @transform_0(%arg0: i32, %arg1: i32) -> (i32, i32) {
    %c0_i32 = arith.constant 0 : i32
    %c0_i32_0 = arith.constant 0 : i32
    return %arg0, %c0_i32 : i32, i32
  }
  func.func @transform_1(%arg0: i32, %arg1: i32) -> (i32, i32) {
    %c0_i32 = arith.constant 0 : i32
    %c0_i32_0 = arith.constant 0 : i32
    return %arg0, %c0_i32 : i32, i32
  }
  func.func @transform_2(%arg0: i32, %arg1: i32) -> (i32, i32) {
    %c0_i32 = arith.constant 0 : i32
    %c0_i32_0 = arith.constant 0 : i32
    return %arg0, %c0_i32 : i32, i32
  }
  func.func @transform_3(%arg0: i32, %arg1: i32) -> (i32, i32) {
    %c0_i32 = arith.constant 0 : i32
    %c0_i32_0 = arith.constant 0 : i32
    return %arg0, %c0_i32 : i32, i32
  }
  func.func @transform_4(%arg0: i32, %arg1: i32) -> (i32, i32, i32) {
    %c0_i32 = arith.constant 0 : i32
    %c0_i32_0 = arith.constant 0 : i32
    %c0_i32_1 = arith.constant 0 : i32
    return %c0_i32, %arg0, %c0_i32_0 : i32, i32, i32
  }
  func.func @transform_5(%arg0: i32, %arg1: i32) -> (i32, i32) {
    %c0_i32 = arith.constant 0 : i32
    %c0_i32_0 = arith.constant 0 : i32
    %c0_i32_1 = arith.constant 0 : i32
    return %c0_i32, %c0_i32_0 : i32, i32
  }
  func.func @transform_6(%arg0: i32, %arg1: i32) -> (i32, i32) {
    %mul3A = arith.constant 8 : i32
    %mul3A_0 = arith.muli %arg1, %mul3A : i32
    %add3A = arith.addi %mul3A_0, %arg0 : i32
    %c0_i32 = arith.constant 0 : i32
    %c0_i32_1 = arith.constant 0 : i32
    return %add3A, %c0_i32 : i32, i32
  }
}

</mosaic_0001>

<sc_bundles>
// kernel: kernel.6.cloned.1.call-start
scs
__scs_entry_jumppad:
0x0: {  	(pc) =	sbr.rel $0x88, $3  }
0x1: {  	(tag) =	ssettag $0x0;
	lr =	simm.s32 $0x1  }
0x2: {  	[smem:$0x3F93] =	sst lr;
	_ =	strace $0xD0000000  }
0x3: {  	_ = 	snop  }
0x4: {  	_ = 	snop  }
0x5: {  	_ = 	snop  }
0x6: {  	_ = 	snop  }
0x7: {  	_ = 	snop  }
__scs_overlays_trampoline_lowered:
0x8: {  	[smem:$0x3FA2] =	sst s0  }
0x9: {  	[smem:$0x3FA3] =	sst s1  }
0xa: {  	[smem:$0x3FA4] =	sst s2  }
0xb: {  	[smem:$0x3FA5] =	sst s3  }
0xc: {  	[smem:$0x3FA6] =	sst s4  }
0xd: {  	[smem:$0x3FA7] =	sst s5  }
0xe: {  	[smem:$0x3FA8] =	sst s6  }
0xf: {  	[smem:$0x3FA9] =	sst s7  }
0x10: {  	[smem:$0x3FAA] =	sst s8  }
0x11: {  	[smem:$0x3FAB] =	sst s9;
	s0 =	simm.s32 @!p0 $0x0  }
0x12: {  	s1 =	sld [smem:$0x3F91];
	s0 =	simm.s32 @p0 $0x1  }
0x13: {  	[smem:$0x3FAC] =	sst s0;
	s0 =	simm.s32 @!p1 $0x0  }
0x14: {  	s2 =	sld [smem:$0x3F90];
	s0 =	simm.s32 @p1 $0x1  }
0x15: {  	[smem:$0x3FAD] =	sst s0;
	s0 =	simm.s32 @!p2 $0x0  }
0x16: {  	s3 =	sld [smem:$0x3FDB];
	s0 =	simm.s32 @p2 $0x1  }
0x17: {  	s4 =	simm.s32 $0x1BF5;
	[smem:$0x3FAF] =	sst s0  }
0x18: {  	s0 =	sld [smem:$0x3F92];
	_ =	swait.ge [sflag:s4], $0x0  }
0x19: {  	s7 =	sld [smem:$0x3F93]  }
0x1a: {  	s8 =	sadd.s32 $0xFFFFE003, lr  }
0x1b: {  	s9 =	sadd.s32 $0xFFFFFEF7, lr;
	s5 =	simm.s32 $0xFFFFFFFF;
	p2 =	slt.u32 s8, $0xFFFFF086  }
0x1c: {  	p1 =	slt.u32 s9, $0xF7A;
	s5 =	simm.s32 @!p2 $0x0  }
0x1d: {  	s5 =	simm.s32 @p1 $0x1;
	p0 =	seq.s32 s7, s2  }
0x1e: {  	s7 =	smul.u32 @!p0 $0xF7A, s2;
	p2 =	seq.s32 @!p0 s5, $0x0  }
0x1f: {  	s9 =	smul.u32 $0xF7A, s1;
	s8 =	simm.s32 @!p0 $0x1BF5;
	p2 =	por !p2, p0  }
0x20: {  	[sflag:s8] =	ssyncset.s32 @!p0 $0xFFFFF086;
	s6 =	sadd.s32 @!p0 s3, s7;
	s7 =	simm.s32 @!p0 $0x108  }
0x21: {  	s3 =	sadd.s32 s3, s9;
	s6 =	sadd.s32 @!p0 $0x88, s6;
	s7 =	simm.s32 @p2 $0x1082  }
0x22: {  	[simem:s7], [sflag:s8] =	dma.local @!p0 [hbm:s6], $0xF7A  }
0x23: {  	s9 =	sor.u32 $0xD0000000, s2;
	s6 =	simm.s32 $0x108;
	_ =	swait.ge @!p0 [sflag:s8], $0x0  }
0x24: {  	s3 =	sadd.s32 $0x88, s3;
	s6 =	simm.s32 @!p1 $0x1082;
	[sflag:s4] =	ssyncset.s32 $0xFFFFF086  }
0x25: {  	[simem:s6], [sflag:s4] =	dma.local [hbm:s3], $0xF7A  }
0x26: {  	[smem:$0x3F93] =	sst s1;
	(tag) =	ssettag s2;
	_ =	strace s9  }
0x27: {  	s1 =	sld [smem:$0x3FA3]  }
0x28: {  	s2 =	sld [smem:$0x3FA4]  }
0x29: {  	s4 =	sld [smem:$0x3FA6]  }
0x2a: {  	p0 =	seq.s32 s5, $0x0;
	s5 =	sld [smem:$0x3FA7]  }
0x2b: {  	s6 =	sld [smem:$0x3FA8]  }
0x2c: {  	s7 =	sld [smem:$0x3FA9]  }
0x2d: {  	s3 =	simm.s32 $0x108;
	s8 =	sld [smem:$0x3FAA]  }
0x2e: {  	s3 =	simm.s32 @!p0 $0x1082;
	s9 =	sld [smem:$0x3FAB]  }
0x2f: {  	lr =	sadd.s32 s0, s3;
	s0 =	sld [smem:$0x3FA2]  }
0x30: {  	s3 =	sld [smem:$0x3FA5]  }
0x31: {  	[smem:$0x3FAE] =	sst s10  }
0x32: {  	s10 =	sld [smem:$0x3FAC];
	_ =	sdelay $0x3  }
0x33: {  	p0 =	seq.s32 s10, $0x1;
	s10 =	sld [smem:$0x3FAE];
	_ =	sdelay $0x3  }
0x34: {  	[smem:$0x3FAE] =	sst s10  }
0x35: {  	s10 =	sld [smem:$0x3FAD];
	_ =	sdelay $0x3  }
0x36: {  	p1 =	seq.s32 s10, $0x1;
	s10 =	sld [smem:$0x3FAE];
	_ =	sdelay $0x3  }
0x37: {  	[smem:$0x3FAE] =	sst s10  }
0x38: {  	s10 =	sld [smem:$0x3FAF]  }
0x39: {  	_ = 	snop;
	(pc) =	sbr.ind lr, $3  }
0x3a: {  	_ = 	snop  }
0x3b: {  	_ = 	snop  }
0x3c: {  	p2 =	seq.s32 s10, $0x1;
	s10 =	sld [smem:$0x3FAE]  }
0x3d: {  	_ =	shalt  }
0x3e: {  	_ =	shalt  }
0x3f: {  	_ =	shalt  }
0x40: {  	_ =	shalt  }
0x41: {  	_ =	shalt  }
0x42: {  	_ =	shalt  }
0x43: {  	_ =	shalt  }
0x44: {  	_ =	shalt  }
0x45: {  	_ =	shalt  }
0x46: {  	_ =	shalt  }
0x47: {  	_ =	shalt  }
0x48: {  	_ =	shalt  }
0x49: {  	_ =	shalt  }
0x4a: {  	_ =	shalt  }
0x4b: {  	_ =	shalt  }
0x4c: {  	_ =	shalt  }
0x4d: {  	_ =	shalt  }
0x4e: {  	_ =	shalt  }
0x4f: {  	_ =	shalt  }
0x50: {  	_ =	shalt  }
0x51: {  	_ =	shalt  }
0x52: {  	_ =	shalt  }
0x53: {  	_ =	shalt  }
0x54: {  	_ =	shalt  }
0x55: {  	_ =	shalt  }
0x56: {  	_ =	shalt  }
0x57: {  	_ =	shalt  }
0x58: {  	_ =	shalt  }
0x59: {  	_ =	shalt  }
0x5a: {  	_ =	shalt  }
0x5b: {  	_ =	shalt  }
0x5c: {  	_ =	shalt  }
0x5d: {  	_ =	shalt  }
0x5e: {  	_ =	shalt  }
0x5f: {  	_ =	shalt  }
0x60: {  	_ =	shalt  }
0x61: {  	_ =	shalt  }
0x62: {  	_ =	shalt  }
0x63: {  	_ =	shalt  }
0x64: {  	_ =	shalt  }
0x65: {  	_ =	shalt  }
0x66: {  	_ =	shalt  }
0x67: {  	_ =	shalt  }
0x68: {  	_ =	shalt  }
0x69: {  	_ =	shalt  }
0x6a: {  	_ =	shalt  }
0x6b: {  	_ =	shalt  }
0x6c: {  	_ =	shalt  }
0x6d: {  	_ =	shalt  }
0x6e: {  	_ =	shalt  }
0x6f: {  	_ =	shalt  }
0x70: {  	_ =	shalt  }
0x71: {  	_ =	shalt  }
0x72: {  	_ =	shalt  }
0x73: {  	_ =	shalt  }
0x74: {  	_ =	shalt  }
0x75: {  	_ =	shalt  }
0x76: {  	_ =	shalt  }
0x77: {  	_ =	shalt  }
0x78: {  	_ =	shalt  }
0x79: {  	_ =	shalt  }
0x7a: {  	_ =	shalt  }
0x7b: {  	_ =	shalt  }
0x7c: {  	_ =	shalt  }
0x7d: {  	_ =	shalt  }
0x7e: {  	_ =	shalt  }
0x7f: {  	_ =	shalt  }
0x80: {  	_ =	shalt  }
0x81: {  	_ =	shalt  }
0x82: {  	_ =	shalt  }
0x83: {  	_ =	shalt  }
0x84: {  	_ =	shalt  }
0x85: {  	_ =	shalt  }
0x86: {  	_ =	shalt  }
0x87: {  	_ =	shalt  }
.Lfunc_end0:
.L_simem_size_0:
called_computation_lowered:
.L_overlay_start_0:
0x88: {  	s2 =	sld [smem:$0x3FD9]  }
0x89: {  	s3 =	sld [smem:$0x3FFE];
	_ =	sdelay $0x1  }
0x8a: {  	s1 =	srdreg.scid  }
0x8b: {  	s0 =	sand.u32 $0x1, s1  }
0x8c: {  	s14 =	sshll.u32 s0, $0xA;
	s2 =	sadd.s32 s3, s2  }
0x8d: {  	s2 =	sadd.s32 s2, s14  }
0x8e: {  	[smem:$0x3FBA] =	sst s2  }
0x8f: {  	_ = 	snop  }
0x90: {  	s2 =	sld [smem:$0x3FD0];
	_ =	sdelay $0x2  }
0x91: {  	s4 =	simm.s32 $0xA;
	s5 =	simm.s32 $0x10;
	s15 =	sld [smem:$0x3FC2]  }
0x92: {  	[smem:s5], [sflag:s4] =	dma.local [hbm:s2], $0x1  }
0x93: {  	_ =	swait.eq [sflag:s4], $0x1  }
0x94: {  	[sflag:s4] =	ssyncset.done $0x0  }
0x95: {  	[sflag:s4] =	ssyncadd.s32 $0xFFFFFFFF  }
0x96: {  	s16 =	sld [smem:$0x11];
	(tm) =	ssettm $0x1  }
0x97: {  	s17 =	sld [smem:$0x3FFB];
	_ =	sdelay $0x3  }
0x98: {  	_ =	strace s17  }
0x99: {  	s4 =	sld [smem:$0x3FFC];
	_ =	sdelay $0x3  }
0x9a: {  	_ =	strace s4  }
0x9b: {  	s4 =	sld [smem:$0x3FFD];
	_ =	sdelay $0x3  }
0x9c: {  	_ =	strace s4  }
0x9d: {  	_ =	strace $0x8FFFFFFF  }
0x9e: {  	s18 =	sld [smem:$0x3FDB];
	_ =	sdelay $0x1  }
0x9f: {  	s19 =	simm.s32 $_scs_section_size  }
0xa0: {  	s6 =	simm.s32 $_size__tile_overlayer_lowered;
	s7 =	simm.s32 $_tile_overlayer_lowered  }
0xa1: {  	s22 =	simm.s32 $0x1BFF;
	s21 =	sshll.u32 s7, $0x1;
	s4 =	sadd.s32 s19, s18  }
0xa2: {  	s8 =	simm.s32 $0x0;
	s20 =	sshll.u32 s6, $0x1;
	s6 =	sadd.s32 s21, s4  }
0xa3: {  	[timem:s8], [sflag:s22] =	dma.local [hbm:s6], s20  }
0xa4: {  	_ =	swait.ge [sflag:s22], s20  }
0xa5: {  	s5 =	ssub.s32 $0x0, s20;
	[sflag:s22] =	ssyncset.done $0x0  }
0xa6: {  	[sflag:s22] =	ssyncadd.s32 s5;
	_ =	sdelay $0x1  }
0xa7: {  	s23 =	simm.s32 $0x1B8B  }
0xa8: {  	_ =	swait.ge [sflag:s23], $0x1  }
0xa9: {  	[sflag:s23] =	ssyncset.done $0x0  }
0xaa: {  	s25 =	simm.s32 $0x1B8E;
	s24 =	sld [smem:$0x3FFE];
	[sflag:s23] =	ssyncadd.s32 $0xFFFFFFFF  }
0xab: {  	s26 =	simm.s32 $execute0_lowered;
	[smem:$0x3FD2] =	sst s25  }
0xac: {  	s6 =	sshll.u32 s26, $0x1;
	_ =	strace $0x80000046;
	[dreg:$0x1] =	wrdreg $0xFFFFFFFF  }
0xad: {  	s28 =	simm.s32 $_size_execute0_lowered;
	s4 =	sadd.s32 s4, s6;
	[dreg:$0x0] =	wrdreg $0x0  }
0xae: {  	s6 =	sshll.u32 s28, $0x1;
	[dreg:$0x2] =	wrdreg s4  }
0xaf: {  	[dreg:$0x3] =	wrdreg s6  }
0xb0: {  	[dreg:$0x4] =	wrdreg $0xC0  }
0xb1: {  	_ =	task [dreg:s8], $0x5FFFF  }
0xb2: {  	[dreg:$0x1] =	wrdreg $0xFFFFFFFF  }
0xb3: {  	[dreg:$0x0] =	wrdreg $0x60  }
0xb4: {  	[dreg:$0x2] =	wrdreg s15  }
0xb5: {  	[dreg:$0x3] =	wrdreg s24  }
0xb6: {  	[dreg:$0x4] =	wrdreg s16  }
0xb7: {  	[dreg:$0x5] =	wrdreg $0x9  }
0xb8: {  	_ =	task.clear_ibuf [dreg:s8], $0x6FFFF;
	_ =	strace $0x90000046  }
0xb9: {  	s29 =	simm.s32 $0x9;
	_ =	strace $0x80000048  }
0xba: {  	_ =	swait.ge [sflag:s29], $0x1  }
0xbb: {  	[sflag:s29] =	ssyncadd.s32 $0xFFFFFFFF  }
0xbc: {  	_ =	strace $0x90000048  }
0xbd: {  	_ =	sfence  }
0xbe: {  	s30 =	sld [smem:$0x0];
	_ =	sdelay $0x2  }
0xbf: {  	s31 =	sshll.u32 s1, $0xD;
	s1 =	sshrl.u32 s1, $0x2  }
0xc0: {  	s3 =	sand.u32 $0x4000, s31;
	s1 =	sadd.s32 s1, s30  }
0xc1: {  	s0 =	sor.u32 s3, s0;
	s1 =	sshll.u32 s1, $0x11  }
0xc2: {  	s0 =	sor.u32 s1, s0  }
0xc3: {  	s0 =	sadd.s32 $0x8F2B, s0  }
0xc4: {  	[sflag:s0] =	ssyncadd.remote.s32 $0x1  }
0xc5: {  	_ =	sfence.sel $0xFFFF  }
0xc6: {  	[dreg:$0x0] =	wrdreg $0xFFFFFFFF;
	(pc) =	sbr.abs _section_cstart, $3  }
0xc7: {  	[dreg:$0x1] =	wrdreg $0xFFFFFFFF  }
0xc8: {  	_ =	task.clear_ibuf [dreg:s8], $0x2FFFF;
	_ =	strace $0x9FFFFFFF  }
0xc9: {  	(tm) =	ssettm $0x7FFFFFFF  }
tec
execute0_lowered:
.L_overlay_start_1:
0x0: {  	(tag) =	ssettag $0x1  }
0x1: {  	s1 =	rddreg [dreg:$0x0]  }
0x2: {  	s2 =	srdreg.scid;
	s4 =	rddreg [dreg:$0x1]  }
0x3: {  	s0 =	stileid.u32;
	s9 =	rddreg [dreg:$0x2];
	s3 =	simm.s32 $0x0  }
0x4: {  	s14 =	simm.s32 $0x1;
	s15 =	simm.s32 $0x2;
	s12 =	smul.u32 $0x50000, s0  }
0x5: {  	s16 =	simm.s32 $0x3;
	s6 =	sand.u32 $0x1, s2;
	s26 =	smul.u32 $0x280000, s0  }
0x6: {  	s17 =	simm.s32 $0x4;
	s24 =	sshll.u32 s0, $0x1;
	s28 =	smul.u32 $0x140000, s6  }
0x7: {  	s2 =	rddreg [dreg:$0x3];
	s5 =	sor.u32 s6, s24;
	s13 =	smul.u32 $0x28000, s6  }
0x8: {  	s18 =	simm.s32 $0x0;
	[smem:$0x7FF] =	sst s3;
	s7 =	smul.u32 $0x500, s5  }
0x9: {  	s10 =	ssub.s32 $0x2, s6;
	_ =	strace $0x80000047;
	s8 =	smul.u32 $0x140000, s5  }
0xa: {  	s11 =	smul.u32 $0x28000, s5;
	s25 =	sshrl.u32 s10, $0x1;
	s29 =	sadd.s32 s12, s9  }
0xb: {  	s12 =	simm.s32 $0x2800;
	s5 =	ssub.s32 s10, s25;
	s10 =	simm.s32 $0x5  }
0xc: {  	s4 =	sadd.s32 s7, s4;
	s8 =	sshrl.u32 s8, $0x3;
	s5 =	smax.u32 s5, $0x1  }
0xd: {  	s7 =	sadd.s32 s28, s26;
	s30 =	sadd.s32 s11, s9;
	s11 =	simm.s32 $0x80  }
0xe: {  	s4 =	sadd.s32 $0x2000, s4;
	s8 =	sadd.s32 s9, s8;
	s31 =	sshrl.u32 s7, $0x3  }
0xf: {  	s7 =	sadd.s32 $0x27800, s30;
	s6 =	sadd.s32 $0x27000, s8;
	s8 =	sadd.s32 s13, s29  }
0x10: {  	s9 =	sadd.s32 s31, s9;
	s13 =	simm.s32 $0x6800;
	s8 =	sadd.s32 $0x800, s8  }
.LBB2_1:
0x11: {  	[tilespmem:s3], [sflag:$0x5] =	stream.linear.gather [hbm4b:s4+s3], $0x2800, $0x38;
	[tilespmem:$0xA800] =	vst v63  }
0x12: {  	_ =	swait.ge [sflag:s10], $0x2800  }
0x13: {  	[sflag:s10] =	ssyncset.done $0x0  }
0x14: {  	[sflag:s10] =	ssyncadd.s32 $0xFFFFD800  }
0x15: {  	[tilespmem:s12], [sflag:$0x1] =	stream.indirect.gather [hbm4b:s1+s11], $0x80, s3, s11, $0xb8;
	[tilespmem:$0xA800] =	vst v63  }
0x16: {  	_ = 	snop  }
0x17: {  	[tilespmem:s13], [sflag:$0x2] =	stream.indirect.gather [hbm4b:s1+s11], $0x80, s11, s11, $0xb8;
	[tilespmem:$0xA800] =	vst v63  }
0x18: {  	_ =	swait.ge [sflag:s14], $0x4000  }
0x19: {  	[sflag:s14] =	ssyncset.done $0x0  }
0x1a: {  	s19 =	sadd.s32 $0x0, s9;
	[sflag:s14] =	ssyncadd.s32 $0xFFFFC000  }
0x1b: {  	[hbm4b:s19+s3] =	stream.linear.scatter [tilespmem:s12], [sflag:$0x3], $0x4000, $0x38;
	[tilespmem:$0xA800] =	vst v63  }
0x1c: {  	_ =	swait.ge [sflag:s15], $0x4000  }
0x1d: {  	[sflag:s15] =	ssyncset.done $0x0  }
0x1e: {  	s30 =	sadd.s32 $0x0, s8;
	[sflag:s15] =	ssyncadd.s32 $0xFFFFC000  }
0x1f: {  	[hbm4b:s30+s3] =	stream.linear.scatter [tilespmem:s13], [sflag:$0x4], $0x4000, $0x38;
	[tilespmem:$0xA800] =	vst v63  }
0x20: {  	_ =	swait.ge [sflag:s16], $0x4000  }
0x21: {  	[sflag:s16] =	ssyncset.done $0x0  }
0x22: {  	s31 =	simm.s32 $0x100;
	[sflag:s16] =	ssyncadd.s32 $0xFFFFC000  }
0x23: {  	[tilespmem:s12], [sflag:$0x1] =	stream.indirect.gather [hbm4b:s1+s11], $0x80, s31, s11, $0xb8;
	[tilespmem:$0xA800] =	vst v63  }
0x24: {  	_ =	swait.ge [sflag:s17], $0x4000  }
0x25: {  	s20 =	simm.s32 $0x1000;
	[sflag:s17] =	ssyncset.done $0x0  }
0x26: {  	s21 =	simm.s32 $0x280;
	s19 =	simm.s32 $0x180;
	[sflag:s17] =	ssyncadd.s32 $0xFFFFC000  }
.LBB2_2:
0x27: {  	[tilespmem:s13], [sflag:$0x2] =	stream.indirect.gather [hbm4b:s1+s11], $0x80, s19, s11, $0xb8;
	[tilespmem:$0xA800] =	vst v63  }
0x28: {  	s22 =	smov.u32 s20;
	s19 =	smov.u32 s21  }
0x29: {  	p0 =	sne.s32 s20, $0x26000;
	s20 =	sadd.s32 $0x1000, s20;
	_ =	swait.ge [sflag:s14], $0x4000  }
0x2a: {  	[sflag:s14] =	ssyncset.done $0x0  }
0x2b: {  	s23 =	sadd.s32 s22, s9;
	[sflag:s14] =	ssyncadd.s32 $0xFFFFC000  }
0x2c: {  	[hbm4b:s23+s3] =	stream.linear.scatter [tilespmem:s12], [sflag:$0x3], $0x4000, $0x38;
	[tilespmem:$0xA800] =	vst v63  }
0x2d: {  	_ =	swait.ge [sflag:s15], $0x4000  }
0x2e: {  	[sflag:s15] =	ssyncset.done $0x0  }
0x2f: {  	s22 =	sadd.s32 s22, s8;
	[sflag:s15] =	ssyncadd.s32 $0xFFFFC000  }
0x30: {  	[hbm4b:s22+s3] =	stream.linear.scatter [tilespmem:s13], [sflag:$0x4], $0x4000, $0x38;
	[tilespmem:$0xA800] =	vst v63  }
0x31: {  	_ =	swait.ge [sflag:s16], $0x4000  }
0x32: {  	[sflag:s16] =	ssyncset.done $0x0  }
.Ltmp0:
0x33: {  	s22 =	sadd.s32 $0xFFFFFF80, s21;
	[sflag:s16] =	ssyncadd.s32 $0xFFFFC000;
	(pc) =	sbr.rel @p0 .LBB2_2-.Ltmp0, $4  }
0x34: {  	[tilespmem:s12], [sflag:$0x1] =	stream.indirect.gather [hbm4b:s1+s11], $0x80, s22, s11, $0xb8;
	[tilespmem:$0xA800] =	vst v63  }
0x35: {  	_ =	swait.ge [sflag:s17], $0x4000  }
0x36: {  	[sflag:s17] =	ssyncset.done $0x0  }
0x37: {  	s21 =	sadd.s32 $0x100, s21;
	[sflag:s17] =	ssyncadd.s32 $0xFFFFC000  }
0x38: {  	[tilespmem:s13], [sflag:$0x2] =	stream.indirect.gather [hbm4b:s1+s11], $0x80, s19, s11, $0xb8;
	[tilespmem:$0xA800] =	vst v63  }
0x39: {  	_ =	swait.ge [sflag:s14], $0x4000  }
0x3a: {  	[sflag:s14] =	ssyncset.done $0x0  }
0x3b: {  	[sflag:s14] =	ssyncadd.s32 $0xFFFFC000  }
0x3c: {  	[hbm4b:s6+s3] =	stream.linear.scatter [tilespmem:s12], [sflag:$0x3], $0x4000, $0x38;
	[tilespmem:$0xA800] =	vst v63  }
0x3d: {  	_ =	swait.ge [sflag:s15], $0x4000  }
0x3e: {  	[sflag:s15] =	ssyncset.done $0x0  }
0x3f: {  	s18 =	sadd.s32 $0x1, s18;
	[sflag:s15] =	ssyncadd.s32 $0xFFFFC000  }
0x40: {  	[hbm4b:s7+s3] =	stream.linear.scatter [tilespmem:s13], [sflag:$0x4], $0x4000, $0x38;
	[tilespmem:$0xA800] =	vst v63  }
0x41: {  	p0 =	sne.s32 s18, s5;
	_ =	swait.ge [sflag:s16], $0x4000  }
.Ltmp1:
0x42: {  	[sflag:s16] =	ssyncset.done $0x0;
	(pc) =	sbr.rel @p0 .LBB2_1-.Ltmp1, $4  }
0x43: {  	[sflag:s16] =	ssyncadd.s32 $0xFFFFC000  }
0x44: {  	_ =	swait.ge [sflag:s17], $0x4000  }
0x45: {  	[sflag:s17] =	ssyncset.done $0x0  }
0x46: {  	[sflag:s17] =	ssyncadd.s32 $0xFFFFC000  }
0x47: {  	_ =	sfence.sel $0x180000  }
0x48: {  	[bflag:$0x0] =	sbarrier.arrive $0xFFFF  }
0x49: {  	p0 =	sne.s32 s0, $0x0;
	_ =	strace $0x90000047  }
0x4a: {  	s0 =	sadd.s32 @!p0 $0x100000, s2;
	[bflag:$0x2] =	sbarrier.arrive $0xFFFF  }
0x4b: {  	[sflag:s0] =	ssyncadd.tile.s32 @!p0 $0x1;
	_ =	shalt  }
.Lfunc_end2:
_tile_overlayer_lowered:
.L_overlay_start_2:
0x4c: {  	(tag) =	ssettag $0x2  }
0x4d: {  	s0 =	rddreg [dreg:$0x0];
	s2 =	stileid.u32  }
0x4e: {  	s1 =	rddreg [dreg:$0x1];
	p0 =	sne.s32 s2, $0x0  }
0x4f: {  	s3 =	rddreg [dreg:$0x2];
	[bflag:$0x3] =	sbarrier.arrive $0xFFFF;
	s2 =	simm.s32 @!p0 $0x1C05  }
0x50: {  	[timem:s3], [sflag:s2] =	dma.local @!p0 [hbm:s0], s1  }
0x51: {  	s0 =	simm.s32 @!p0 $0x5  }
0x52: {  	_ =	swait.ge @!p0 [sflag:s0], s1  }
0x53: {  	s1 =	ssub.s32 @!p0 $0x0, s1;
	[sflag:s0] =	ssyncset.done @!p0 $0x0  }
0x54: {  	[sflag:s0] =	ssyncadd.s32 @!p0 s1  }
0x55: {  	[bflag:$0x3] =	sbarrier.arrive $0xFFFF  }
0x56: {  	_ =	shalt  }

</sc_bundles>
